<compile_context>
chip_gen: v7x
topology: tpu7x:2x2x1
jax: 0.10.2.dev20260603
libtpu: 0.0.44.dev20260713+nightly
codegen_flags: <defaults>
</compile_context>

<pallas_src>
import jax
import jax.numpy as jnp
from jax import lax
from jax.experimental import pallas as pl
from jax.experimental.pallas import tpu as pltpu
from jax.experimental.pallas import tpu_sc as plsc

EMBED_DIM = 32
NUM_EMB = 8192
COMMIT = 0.25
MOMENTUM = 0.9

N_POINTS = 8192
BLOCK = 1024
GRID = N_POINTS // BLOCK
GAUG = 128

NC = 2
NS = 16
NW = NC * NS
BPW = N_POINTS // NW


def _vq_kernel(x_ref, x2_ref, e_ref, cs_ref, un_ref,
               idx_ref, et_ref, loss_ref, perp_ref, new_e_ref, new_cs_ref,
               new_un_ref,
               un_acc, loss_acc, e2_acc):
    i = pl.program_id(0)

    x_blk = x_ref[...]
    e = e_ref[...]
    eb = e.astype(jnp.bfloat16)

    @pl.when(i == 0)
    def _init():
        un_acc[...] = jnp.zeros_like(un_acc)
        loss_acc[...] = jnp.zeros_like(loss_acc)
        e2_acc[...] = jnp.sum(e * e, axis=0, keepdims=True)
        e_lo = (e - eb.astype(jnp.float32)).astype(jnp.bfloat16)
        eye = (jax.lax.broadcasted_iota(jnp.int32, (EMBED_DIM, GAUG), 0)
               == jax.lax.broadcasted_iota(jnp.int32, (EMBED_DIM, GAUG), 1)
               ).astype(jnp.bfloat16)
        et_ref[...] = (
            jax.lax.dot_general(eb, eye, (((0,), (0,)), ((), ())),
                                preferred_element_type=jnp.float32)
            + jax.lax.dot_general(e_lo, eye, (((0,), (0,)), ((), ())),
                                  preferred_element_type=jnp.float32))

    x2 = x2_ref[...]
    e2 = e2_acc[...]
    m2 = jax.lax.dot_general((x_blk + x_blk).astype(jnp.bfloat16), eb,
                             (((1,), (0,)), ((), ())),
                             preferred_element_type=jnp.float32)
    dist = (x2 + e2) - m2

    HALF = NUM_EMB // 2
    d0 = dist[:, :HALF]
    d1 = dist[:, HALF:]
    md0 = jnp.min(d0, axis=1, keepdims=True)
    md1 = jnp.min(d1, axis=1, keepdims=True)
    idx0 = jnp.argmin(d0, axis=1, keepdims=True).astype(jnp.int32)
    idx1 = jnp.argmin(d1, axis=1, keepdims=True).astype(jnp.int32)
    u0 = md0.astype(jnp.bfloat16).astype(jnp.float32)
    pick0 = u0 <= md1
    idx = jnp.where(pick0, idx0, idx1 + HALF)
    idx_ref[...] = idx

    lane = jax.lax.broadcasted_iota(jnp.int32, dist.shape, 1)
    oh_b = (lane == idx).astype(jnp.bfloat16)

    xb_aug = jnp.concatenate(
        [x_blk.astype(jnp.bfloat16), jnp.ones((BLOCK, 1), jnp.bfloat16)],
        axis=1)
    un_acc[...] += jax.lax.dot_general(xb_aug, oh_b, (((0,), (0,)), ((), ())),
                                       preferred_element_type=jnp.float32)

    loss_acc[...] += jnp.sum(jnp.where(pick0, md0, md1)).reshape(1, 1)

    @pl.when(i == GRID - 1)
    def _finalize():
        counts = un_acc[EMBED_DIM:, :]
        new_cs = (1 - MOMENTUM) * counts + MOMENTUM * cs_ref[...]
        new_un = (1 - MOMENTUM) * un_acc[:EMBED_DIM, :] + MOMENTUM * un_ref[...]
        n = jnp.sum(new_cs)
        stable_cs = (new_cs + 1e-20) / (n + NUM_EMB * 1e-20) * n
        new_cs_ref[...] = new_cs
        new_un_ref[...] = new_un
        new_e_ref[...] = new_un / stable_cs
        loss_ref[...] = COMMIT * (loss_acc[...] / (N_POINTS * EMBED_DIM))
        ol = counts / N_POINTS
        perp_ref[...] = jnp.exp(-jnp.sum(ol * jnp.log(ol + 1e-20))).reshape(1, 1)


def _sc_gather(et_hbm, idx_hbm, q_hbm, idx_a, idx_b, q_a, q_b, sem):
    c = lax.axis_index("c")
    s = lax.axis_index("s")
    wid = s * NC + c
    base = wid * BPW

    pltpu.sync_copy(idx_hbm.at[pl.ds(base, 128)], idx_a)
    pltpu.sync_copy(idx_hbm.at[pl.ds(base + 128, 128)], idx_b)

    pltpu.async_copy(et_hbm.at[idx_a], q_a, sem).wait()
    pltpu.async_copy(et_hbm.at[idx_b], q_b, sem).wait()
    pltpu.sync_copy(q_a, q_hbm.at[pl.ds(base, 128)])
    pltpu.sync_copy(q_b, q_hbm.at[pl.ds(base + 128, 128)])


def _qst_kernel(q_ref, x_ref, qst_ref):
    x = x_ref[...]
    q = q_ref[...][:, :EMBED_DIM]
    qst_ref[...] = x + (q - x)


@jax.jit
def kernel(x, e, cs, un):
    xf = x.reshape(N_POINTS, EMBED_DIM)
    x2 = jnp.sum(xf * xf, 1, keepdims=True)
    cs2 = cs.reshape(1, NUM_EMB)

    idx, et, loss, perp, new_e, new_cs, new_un = pl.pallas_call(
        _vq_kernel,
        grid=(GRID,),
        in_specs=[
            pl.BlockSpec((BLOCK, EMBED_DIM), lambda i: (i, 0)),
            pl.BlockSpec((BLOCK, 1), lambda i: (i, 0)),
            pl.BlockSpec((EMBED_DIM, NUM_EMB), lambda i: (0, 0)),
            pl.BlockSpec((1, NUM_EMB), lambda i: (0, 0)),
            pl.BlockSpec((EMBED_DIM, NUM_EMB), lambda i: (0, 0)),
        ],
        out_specs=(
            pl.BlockSpec((BLOCK, 1), lambda i: (i, 0)),
            pl.BlockSpec((NUM_EMB, GAUG), lambda i: (0, 0)),
            pl.BlockSpec((1, 1), lambda i: (0, 0)),
            pl.BlockSpec((1, 1), lambda i: (0, 0)),
            pl.BlockSpec((EMBED_DIM, NUM_EMB), lambda i: (0, 0)),
            pl.BlockSpec((1, NUM_EMB), lambda i: (0, 0)),
            pl.BlockSpec((EMBED_DIM, NUM_EMB), lambda i: (0, 0)),
        ),
        out_shape=(
            jax.ShapeDtypeStruct((N_POINTS, 1), jnp.int32),
            jax.ShapeDtypeStruct((NUM_EMB, GAUG), jnp.float32),
            jax.ShapeDtypeStruct((1, 1), jnp.float32),
            jax.ShapeDtypeStruct((1, 1), jnp.float32),
            jax.ShapeDtypeStruct((EMBED_DIM, NUM_EMB), jnp.float32),
            jax.ShapeDtypeStruct((1, NUM_EMB), jnp.float32),
            jax.ShapeDtypeStruct((EMBED_DIM, NUM_EMB), jnp.float32),
        ),
        scratch_shapes=[
            pltpu.VMEM((EMBED_DIM + 1, NUM_EMB), jnp.float32),
            pltpu.VMEM((1, 1), jnp.float32),
            pltpu.VMEM((1, NUM_EMB), jnp.float32),
        ],
    )(xf, x2, e, cs2, un)

    mesh = plsc.VectorSubcoreMesh(core_axis_name="c", subcore_axis_name="s")
    q = pl.kernel(
        _sc_gather,
        out_type=jax.ShapeDtypeStruct((N_POINTS, GAUG), jnp.float32),
        mesh=mesh,
        scratch_types=[
            pltpu.VMEM((128,), jnp.int32),
            pltpu.VMEM((128,), jnp.int32),
            pltpu.VMEM((128, GAUG), jnp.float32),
            pltpu.VMEM((128, GAUG), jnp.float32),
            pltpu.SemaphoreType.DMA,
        ],
    )(et, idx.reshape(N_POINTS))

    qst = pl.pallas_call(
        _qst_kernel,
        out_shape=jax.ShapeDtypeStruct((N_POINTS, EMBED_DIM), jnp.float32),
    )(q, xf)

    return (qst.reshape(x.shape), loss[0, 0], perp[0, 0],
            new_e, new_cs.reshape(NUM_EMB), new_un)

# --- scband reference (transcript-rebuilt; emitter-appended) ---
"""Pipeline reference for scband-kmeans-quantizer-9706626089636 (READ-ONLY COPY).

The authoritative reference and input builder live on the scoring server;
editing this copy changes nothing except your own understanding.
"""

import jax, jax.numpy as jnp
import numpy as np

EMBED_DIM = 32
NUM_EMB = 8192
COMMIT = 0.25
MOMENTUM = 0.9


def setup_inputs(seed: int = 0) -> dict:
    key = jax.random.key(seed)
    k1, k2 = jax.random.split(key)
    x = jax.random.normal(k1, (8, 1024, EMBED_DIM), dtype=jnp.float32)
    # variance_scaling(1.0, 'fan_in', 'uniform') on shape (EMBED_DIM, NUM_EMB): fan_in = EMBED_DIM
    limit = float(np.sqrt(3.0 / EMBED_DIM))
    e = jax.random.uniform(k2, (EMBED_DIM, NUM_EMB), minval=-limit, maxval=limit, dtype=jnp.float32)
    cs = jnp.zeros((NUM_EMB,), jnp.float32)
    un = jnp.zeros((EMBED_DIM, NUM_EMB), jnp.float32)
    return {"x": x, "e": e, "cs": cs, "un": un}


def reference(x, e, cs, un):
    input_shape = x.shape[:-1]
    xf = x.reshape((-1, EMBED_DIM))
    dist = jnp.sum(xf * xf, 1, keepdims=True) + jnp.sum(e * e, 0, keepdims=True) - 2 * xf @ e
    enc_idx = jnp.argmax(-dist, 1)
    enc = jax.nn.one_hot(enc_idx, NUM_EMB)
    quantized = e.T[enc_idx.reshape(input_shape), ]
    # train=True branch: EMA codebook update
    new_cs = (1 - MOMENTUM) * jnp.sum(enc, axis=0) + MOMENTUM * cs
    new_un = (1 - MOMENTUM) * xf.T @ enc + MOMENTUM * un
    n = jnp.sum(new_cs)
    stable_cs = (new_cs + 1e-20) / (n + NUM_EMB * 1e-20) * n
    new_e = new_un / stable_cs.reshape((1, -1))
    xr = xf.reshape((*input_shape, EMBED_DIM))
    loss = COMMIT * jnp.mean((jax.lax.stop_gradient(quantized) - xr) ** 2)
    quantized_st = xr + jax.lax.stop_gradient(quantized - xr)
    avg_probs = jnp.mean(enc.reshape((*input_shape, -1)), 0)
    over_latents = jnp.mean(avg_probs, tuple(range(len(input_shape) - 1)))
    perplexity = jnp.exp(-jnp.sum(over_latents * jnp.log(over_latents + 1e-20)))
    return (quantized_st, loss, perplexity, new_e, new_cs, new_un)

if __name__ == "__main__":
    import jax
    _d = setup_inputs()
    print(jax.jit(kernel)(*tuple(_d.values())))

</pallas_src>

<mosaic_0001>
#map = affine_map<(d0, d1) -> (0, 0)>
#map1 = affine_map<(d0, d1) -> (0)>
module attributes {stable_mosaic.version = 14 : i64} {
  func.func @_sc_gather(%arg0: i32, %arg1: i32, %arg2: memref<8192x128xf32, #tpu.memory_space<hbm>>, %arg3: memref<8192xi32, #tpu.memory_space<hbm>>, %arg4: memref<8192x128xf32, #tpu.memory_space<hbm>>, %arg5: memref<128xi32, #tpu.memory_space<vmem>>, %arg6: memref<128xi32, #tpu.memory_space<vmem>>, %arg7: memref<128x128xf32, #tpu.memory_space<vmem>>, %arg8: memref<128x128xf32, #tpu.memory_space<vmem>>, %arg9: memref<!tpu.dma_semaphore, #tpu.memory_space<semaphore_mem>>) attributes {dimension_semantics = [#tpu.dimension_semantics<core_parallel>, #tpu.dimension_semantics<subcore_parallel>], iteration_bounds = array<i64: 2, 16>, scalar_prefetch = 0 : i64, scratch_operands = 5 : i64, tpu.core_type = #tpu.core_type<sc_vector_subcore>, window_params = [{transform_indices = #map}, {transform_indices = #map1}, {transform_indices = #map}]} {
    %mul3A = arith.constant 2 : i32
    %mul3A_0 = arith.muli %arg1, %mul3A : i32
    %add3A = arith.addi %mul3A_0, %arg0 : i32
    %mul3A_1 = arith.constant 256 : i32
    %mul3A_2 = arith.muli %add3A, %mul3A_1 : i32
    "tpu.region"() ({
      %run_scoped3A = tpu.sem_alloc : memref<!tpu.dma_semaphore, #tpu.memory_space<semaphore_mem>>
      %dma_start3A_17 = tpu.memref_slice %arg3[%mul3A_2] : memref<8192xi32, #tpu.memory_space<hbm>> -> memref<128xi32, #tpu.memory_space<hbm>>
      %dma_start3A_18 = tpu.memref_slice %arg3[%mul3A_2] : memref<8192xi32, #tpu.memory_space<hbm>> -> memref<128xi32, #tpu.memory_space<hbm>>
      tpu.enqueue_dma source(%dma_start3A_18 : memref<128xi32, #tpu.memory_space<hbm>>) target(%arg5 : memref<128xi32, #tpu.memory_space<vmem>>) target_semaphore(%run_scoped3A : memref<!tpu.dma_semaphore, #tpu.memory_space<semaphore_mem>>)
      %dma_wait3A_19 = tpu.memref_slice %arg3[%mul3A_2] : memref<8192xi32, #tpu.memory_space<hbm>> -> memref<128xi32, #tpu.memory_space<hbm>>
      %dma_wait3A_20 = tpu.memref_slice %arg3[%mul3A_2] : memref<8192xi32, #tpu.memory_space<hbm>> -> memref<128xi32, #tpu.memory_space<hbm>>
      tpu.wait_dma2 semaphore(%run_scoped3A : memref<!tpu.dma_semaphore, #tpu.memory_space<semaphore_mem>>) src(%dma_wait3A_20 : memref<128xi32, #tpu.memory_space<hbm>>) dst(%arg5 : memref<128xi32, #tpu.memory_space<vmem>>)
      tpu.yield
    }) : () -> ()
    %add3A_3 = arith.constant 128 : i32
    %add3A_4 = arith.addi %mul3A_2, %add3A_3 : i32
    "tpu.region"() ({
      %run_scoped3A = tpu.sem_alloc : memref<!tpu.dma_semaphore, #tpu.memory_space<semaphore_mem>>
      %dma_start3A_17 = tpu.memref_slice %arg3[%add3A_4] : memref<8192xi32, #tpu.memory_space<hbm>> -> memref<128xi32, #tpu.memory_space<hbm>>
      %dma_start3A_18 = tpu.memref_slice %arg3[%add3A_4] : memref<8192xi32, #tpu.memory_space<hbm>> -> memref<128xi32, #tpu.memory_space<hbm>>
      tpu.enqueue_dma source(%dma_start3A_18 : memref<128xi32, #tpu.memory_space<hbm>>) target(%arg6 : memref<128xi32, #tpu.memory_space<vmem>>) target_semaphore(%run_scoped3A : memref<!tpu.dma_semaphore, #tpu.memory_space<semaphore_mem>>)
      %dma_wait3A_19 = tpu.memref_slice %arg3[%add3A_4] : memref<8192xi32, #tpu.memory_space<hbm>> -> memref<128xi32, #tpu.memory_space<hbm>>
      %dma_wait3A_20 = tpu.memref_slice %arg3[%add3A_4] : memref<8192xi32, #tpu.memory_space<hbm>> -> memref<128xi32, #tpu.memory_space<hbm>>
      tpu.wait_dma2 semaphore(%run_scoped3A : memref<!tpu.dma_semaphore, #tpu.memory_space<semaphore_mem>>) src(%dma_wait3A_20 : memref<128xi32, #tpu.memory_space<hbm>>) dst(%arg6 : memref<128xi32, #tpu.memory_space<vmem>>)
      tpu.yield
    }) : () -> ()
    %dma_start3A = arith.constant 0 : i32
    %dma_start3A_5 = arith.constant 0 : i32
    %dma_start3A_6 = tpu.memref_slice %arg2[%dma_start3A, %dma_start3A_5] : memref<8192x128xf32, #tpu.memory_space<hbm>> -> memref<8192x128xf32, #tpu.memory_space<hbm>>
    tpu.enqueue_indirect_dma source(%dma_start3A_6 : memref<8192x128xf32, #tpu.memory_space<hbm>>) target(%arg7 : memref<128x128xf32, #tpu.memory_space<vmem>>) offsets(%arg5 : memref<128xi32, #tpu.memory_space<vmem>>) semaphore(%arg9 : memref<!tpu.dma_semaphore, #tpu.memory_space<semaphore_mem>>)
    %dma_wait3A = arith.constant 0 : i32
    %dma_wait3A_7 = arith.constant 0 : i32
    %dma_wait3A_8 = tpu.memref_slice %arg2[%dma_wait3A, %dma_wait3A_7] : memref<8192x128xf32, #tpu.memory_space<hbm>> -> memref<8192x128xf32, #tpu.memory_space<hbm>>
    tpu.wait_indirect_dma semaphore(%arg9 : memref<!tpu.dma_semaphore, #tpu.memory_space<semaphore_mem>>) src(%dma_wait3A_8 : memref<8192x128xf32, #tpu.memory_space<hbm>>) dst(%arg7 : memref<128x128xf32, #tpu.memory_space<vmem>>)
    %dma_start3A_9 = arith.constant 0 : i32
    %dma_start3A_10 = arith.constant 0 : i32
    %dma_start3A_11 = tpu.memref_slice %arg2[%dma_start3A_9, %dma_start3A_10] : memref<8192x128xf32, #tpu.memory_space<hbm>> -> memref<8192x128xf32, #tpu.memory_space<hbm>>
    tpu.enqueue_indirect_dma source(%dma_start3A_11 : memref<8192x128xf32, #tpu.memory_space<hbm>>) target(%arg8 : memref<128x128xf32, #tpu.memory_space<vmem>>) offsets(%arg6 : memref<128xi32, #tpu.memory_space<vmem>>) semaphore(%arg9 : memref<!tpu.dma_semaphore, #tpu.memory_space<semaphore_mem>>)
    %dma_wait3A_12 = arith.constant 0 : i32
    %dma_wait3A_13 = arith.constant 0 : i32
    %dma_wait3A_14 = tpu.memref_slice %arg2[%dma_wait3A_12, %dma_wait3A_13] : memref<8192x128xf32, #tpu.memory_space<hbm>> -> memref<8192x128xf32, #tpu.memory_space<hbm>>
    tpu.wait_indirect_dma semaphore(%arg9 : memref<!tpu.dma_semaphore, #tpu.memory_space<semaphore_mem>>) src(%dma_wait3A_14 : memref<8192x128xf32, #tpu.memory_space<hbm>>) dst(%arg8 : memref<128x128xf32, #tpu.memory_space<vmem>>)
    "tpu.region"() ({
      %run_scoped3A = tpu.sem_alloc : memref<!tpu.dma_semaphore, #tpu.memory_space<semaphore_mem>>
      %dma_start3A_17 = arith.constant 0 : i32
      %dma_start3A_18 = tpu.memref_slice %arg4[%mul3A_2, %dma_start3A_17] : memref<8192x128xf32, #tpu.memory_space<hbm>> -> memref<128x128xf32, #tpu.memory_space<hbm>>
      %dma_start3A_19 = arith.constant 0 : i32
      %dma_start3A_20 = tpu.memref_slice %arg4[%mul3A_2, %dma_start3A_19] : memref<8192x128xf32, #tpu.memory_space<hbm>> -> memref<128x128xf32, #tpu.memory_space<hbm>>
      tpu.enqueue_dma source(%arg7 : memref<128x128xf32, #tpu.memory_space<vmem>>) target(%dma_start3A_20 : memref<128x128xf32, #tpu.memory_space<hbm>>) target_semaphore(%run_scoped3A : memref<!tpu.dma_semaphore, #tpu.memory_space<semaphore_mem>>)
      %dma_wait3A_21 = arith.constant 0 : i32
      %dma_wait3A_22 = tpu.memref_slice %arg4[%mul3A_2, %dma_wait3A_21] : memref<8192x128xf32, #tpu.memory_space<hbm>> -> memref<128x128xf32, #tpu.memory_space<hbm>>
      %dma_wait3A_23 = arith.constant 0 : i32
      %dma_wait3A_24 = tpu.memref_slice %arg4[%mul3A_2, %dma_wait3A_23] : memref<8192x128xf32, #tpu.memory_space<hbm>> -> memref<128x128xf32, #tpu.memory_space<hbm>>
      tpu.wait_dma2 semaphore(%run_scoped3A : memref<!tpu.dma_semaphore, #tpu.memory_space<semaphore_mem>>) src(%arg7 : memref<128x128xf32, #tpu.memory_space<vmem>>) dst(%dma_wait3A_24 : memref<128x128xf32, #tpu.memory_space<hbm>>)
      tpu.yield
    }) : () -> ()
    %add3A_15 = arith.constant 128 : i32
    %add3A_16 = arith.addi %mul3A_2, %add3A_15 : i32
    "tpu.region"() ({
      %run_scoped3A = tpu.sem_alloc : memref<!tpu.dma_semaphore, #tpu.memory_space<semaphore_mem>>
      %dma_start3A_17 = arith.constant 0 : i32
      %dma_start3A_18 = tpu.memref_slice %arg4[%add3A_16, %dma_start3A_17] : memref<8192x128xf32, #tpu.memory_space<hbm>> -> memref<128x128xf32, #tpu.memory_space<hbm>>
      %dma_start3A_19 = arith.constant 0 : i32
      %dma_start3A_20 = tpu.memref_slice %arg4[%add3A_16, %dma_start3A_19] : memref<8192x128xf32, #tpu.memory_space<hbm>> -> memref<128x128xf32, #tpu.memory_space<hbm>>
      tpu.enqueue_dma source(%arg8 : memref<128x128xf32, #tpu.memory_space<vmem>>) target(%dma_start3A_20 : memref<128x128xf32, #tpu.memory_space<hbm>>) target_semaphore(%run_scoped3A : memref<!tpu.dma_semaphore, #tpu.memory_space<semaphore_mem>>)
      %dma_wait3A_21 = arith.constant 0 : i32
      %dma_wait3A_22 = tpu.memref_slice %arg4[%add3A_16, %dma_wait3A_21] : memref<8192x128xf32, #tpu.memory_space<hbm>> -> memref<128x128xf32, #tpu.memory_space<hbm>>
      %dma_wait3A_23 = arith.constant 0 : i32
      %dma_wait3A_24 = tpu.memref_slice %arg4[%add3A_16, %dma_wait3A_23] : memref<8192x128xf32, #tpu.memory_space<hbm>> -> memref<128x128xf32, #tpu.memory_space<hbm>>
      tpu.wait_dma2 semaphore(%run_scoped3A : memref<!tpu.dma_semaphore, #tpu.memory_space<semaphore_mem>>) src(%arg8 : memref<128x128xf32, #tpu.memory_space<vmem>>) dst(%dma_wait3A_24 : memref<128x128xf32, #tpu.memory_space<hbm>>)
      tpu.yield
    }) : () -> ()
    return
  }
}

module attributes {stable_mosaic.version = 14 : i64} {
  func.func @_vq_kernel(%arg0: i32, %arg1: memref<1024x32xf32, #tpu.memory_space<vmem>>, %arg2: memref<1024x1xf32, #tpu.memory_space<vmem>>, %arg3: memref<32x8192xf32, #tpu.memory_space<vmem>>, %arg4: memref<1x8192xf32, #tpu.memory_space<vmem>>, %arg5: memref<32x8192xf32, #tpu.memory_space<vmem>>, %arg6: memref<1024x1xi32, #tpu.memory_space<vmem>>, %arg7: memref<8192x128xf32, #tpu.memory_space<vmem>>, %arg8: memref<1x1xf32, #tpu.memory_space<vmem>>, %arg9: memref<1x1xf32, #tpu.memory_space<vmem>>, %arg10: memref<32x8192xf32, #tpu.memory_space<vmem>>, %arg11: memref<1x8192xf32, #tpu.memory_space<vmem>>, %arg12: memref<32x8192xf32, #tpu.memory_space<vmem>>, %arg13: memref<33x8192xf32, #tpu.memory_space<vmem>>, %arg14: memref<1x1xf32, #tpu.memory_space<vmem>>, %arg15: memref<1x8192xf32, #tpu.memory_space<vmem>>) attributes {dimension_semantics = [#tpu.dimension_semantics<arbitrary>], iteration_bounds = array<i64: 8>, scalar_prefetch = 0 : i64, scratch_operands = 3 : i64, tpu.core_type = #tpu.core_type<tc>, window_params = [{transform_indices = @transform_0, window_bounds = array<i64: 1024, 32>}, {transform_indices = @transform_1, window_bounds = array<i64: 1024, 1>}, {pipeline_mode = #tpu.pipeline_mode<synchronous>, transform_indices = @transform_2, window_bounds = array<i64: 32, 8192>}, {pipeline_mode = #tpu.pipeline_mode<synchronous>, transform_indices = @transform_3, window_bounds = array<i64: 1, 8192>}, {pipeline_mode = #tpu.pipeline_mode<synchronous>, transform_indices = @transform_4, window_bounds = array<i64: 32, 8192>}, {transform_indices = @transform_5, window_bounds = array<i64: 1024, 1>}, {pipeline_mode = #tpu.pipeline_mode<synchronous>, transform_indices = @transform_6, window_bounds = array<i64: 8192, 128>}, {pipeline_mode = #tpu.pipeline_mode<synchronous>, transform_indices = @transform_7, window_bounds = array<i64: 1, 1>}, {pipeline_mode = #tpu.pipeline_mode<synchronous>, transform_indices = @transform_8, window_bounds = array<i64: 1, 1>}, {pipeline_mode = #tpu.pipeline_mode<synchronous>, transform_indices = @transform_9, window_bounds = array<i64: 32, 8192>}, {pipeline_mode = #tpu.pipeline_mode<synchronous>, transform_indices = @transform_10, window_bounds = array<i64: 1, 8192>}, {pipeline_mode = #tpu.pipeline_mode<synchronous>, transform_indices = @transform_11, window_bounds = array<i64: 32, 8192>}]} {
    %get3A = arith.constant 0 : index
    %get3A_0 = arith.constant 0 : index
    %get3A_1 = vector.load %arg1[%get3A, %get3A_0] : memref<1024x32xf32, #tpu.memory_space<vmem>>, vector<1024x32xf32>
    %get3A_2 = arith.constant 0 : index
    %get3A_3 = arith.constant 0 : index
    %get3A_4 = vector.load %arg3[%get3A_2, %get3A_3] : memref<32x8192xf32, #tpu.memory_space<vmem>>, vector<32x8192xf32>
    %convert_element_type3A = arith.truncf %get3A_4 : vector<32x8192xf32> to vector<32x8192xbf16>
    %eq3A = arith.constant 0 : i32
    %eq3A_5 = arith.cmpi eq, %arg0, %eq3A : i32
    %convert_element_type3A_6 = arith.extui %eq3A_5 : i1 to i32
    %cond3A = arith.constant 0 : i32
    %cond3A_7 = arith.cmpi ne, %convert_element_type3A_6, %cond3A : i32
    scf.if %cond3A_7 {
      %broadcast_in_dim3A_68 = arith.constant 0.000000e+00 : f32
      %broadcast_in_dim3A_69 = vector.broadcast %broadcast_in_dim3A_68 : f32 to vector<33x8192xf32>
      %swap3A_70 = arith.constant 0 : index
      %swap3A_71 = arith.constant 0 : index
      %swap3A_72 = vector.load %arg13[%swap3A_70, %swap3A_71] : memref<33x8192xf32, #tpu.memory_space<vmem>>, vector<33x8192xf32>
      tpu.vector_store %arg13[%swap3A_70, %swap3A_71], %broadcast_in_dim3A_69 {strides = array<i32>} : memref<33x8192xf32, #tpu.memory_space<vmem>>, vector<33x8192xf32>,
      %broadcast_in_dim3A_73 = arith.constant 0.000000e+00 : f32
      %broadcast_in_dim3A_74 = vector.broadcast %broadcast_in_dim3A_73 : f32 to vector<1x1xf32>
      %swap3A_75 = arith.constant 0 : index
      %swap3A_76 = arith.constant 0 : index
      %swap3A_77 = vector.load %arg14[%swap3A_75, %swap3A_76] : memref<1x1xf32, #tpu.memory_space<vmem>>, vector<1x1xf32>
      tpu.vector_store %arg14[%swap3A_75, %swap3A_76], %broadcast_in_dim3A_74 {strides = array<i32>} : memref<1x1xf32, #tpu.memory_space<vmem>>, vector<1x1xf32>,
      %mul3A = arith.mulf %get3A_4, %get3A_4 : vector<32x8192xf32>
      %reduce_sum3A_78 = arith.constant dense<0.000000e+00> : vector<8192xf32>
      %reduce_sum3A_79 = vector.multi_reduction <add>, %mul3A, %reduce_sum3A_78 [0] : vector<32x8192xf32> to vector<8192xf32>
      %broadcast_in_dim3A_80 = vector.shape_cast %reduce_sum3A_79 : vector<8192xf32> to vector<1x8192xf32>
      %swap3A_81 = arith.constant 0 : index
      %swap3A_82 = arith.constant 0 : index
      %swap3A_83 = vector.load %arg15[%swap3A_81, %swap3A_82] : memref<1x8192xf32, #tpu.memory_space<vmem>>, vector<1x8192xf32>
      tpu.vector_store %arg15[%swap3A_81, %swap3A_82], %broadcast_in_dim3A_80 {strides = array<i32>} : memref<1x8192xf32, #tpu.memory_space<vmem>>, vector<1x8192xf32>,
      %convert_element_type3A_84 = arith.extf %convert_element_type3A : vector<32x8192xbf16> to vector<32x8192xf32>
      %sub3A_85 = arith.subf %get3A_4, %convert_element_type3A_84 : vector<32x8192xf32>
      %convert_element_type3A_86 = arith.truncf %sub3A_85 : vector<32x8192xf32> to vector<32x8192xbf16>
      %iota3A_87 = tpu.iota {dimensions = array<i32: 0>} : vector<32x128xi32>
      %iota3A_88 = tpu.iota {dimensions = array<i32: 1>} : vector<32x128xi32>
      %eq3A_89 = arith.cmpi eq, %iota3A_87, %iota3A_88 : vector<32x128xi32>
      %convert_element_type3A_90 = arith.extui %eq3A_89 : vector<32x128xi1> to vector<32x128xi32>
      %convert_element_type3A_91 = arith.sitofp %convert_element_type3A_90 : vector<32x128xi32> to vector<32x128xf32>
      %convert_element_type3A_92 = arith.truncf %convert_element_type3A_91 : vector<32x128xf32> to vector<32x128xbf16>
      %dot_general3A_93 = arith.constant dense<0.000000e+00> : vector<8192x128xf32>
      %dot_general3A_94 = tpu.matmul %convert_element_type3A, %convert_element_type3A_92, %dot_general3A_93 {dimension_numbers = #tpu.dot_dimension_numbers<[0], [0], [1], [1], [0, 1, 1, 1], [], []>, transpose_lhs_hint = false} : vector<32x8192xbf16>, vector<32x128xbf16>, vector<8192x128xf32> -> vector<8192x128xf32>
      %dot_general3A_95 = arith.constant dense<0.000000e+00> : vector<8192x128xf32>
      %dot_general3A_96 = tpu.matmul %convert_element_type3A_86, %convert_element_type3A_92, %dot_general3A_95 {dimension_numbers = #tpu.dot_dimension_numbers<[0], [0], [1], [1], [0, 1, 1, 1], [], []>, transpose_lhs_hint = false} : vector<32x8192xbf16>, vector<32x128xbf16>, vector<8192x128xf32> -> vector<8192x128xf32>
      %add3A_97 = arith.addf %dot_general3A_94, %dot_general3A_96 : vector<8192x128xf32>
      %swap3A_98 = arith.constant 0 : index
      %swap3A_99 = arith.constant 0 : index
      %swap3A_100 = vector.load %arg7[%swap3A_98, %swap3A_99] : memref<8192x128xf32, #tpu.memory_space<vmem>>, vector<8192x128xf32>
      tpu.vector_store %arg7[%swap3A_98, %swap3A_99], %add3A_97 {strides = array<i32>} : memref<8192x128xf32, #tpu.memory_space<vmem>>, vector<8192x128xf32>,
    } else {
    }
    %get3A_8 = arith.constant 0 : index
    %get3A_9 = arith.constant 0 : index
    %get3A_10 = vector.load %arg2[%get3A_8, %get3A_9] : memref<1024x1xf32, #tpu.memory_space<vmem>>, vector<1024x1xf32>
    %get3A_11 = arith.constant 0 : index
    %get3A_12 = arith.constant 0 : index
    %get3A_13 = vector.load %arg15[%get3A_11, %get3A_12] : memref<1x8192xf32, #tpu.memory_space<vmem>>, vector<1x8192xf32>
    %add3A = arith.addf %get3A_1, %get3A_1 : vector<1024x32xf32>
    %convert_element_type3A_14 = arith.truncf %add3A : vector<1024x32xf32> to vector<1024x32xbf16>
    %dot_general3A = arith.constant dense<0.000000e+00> : vector<1024x8192xf32>
    %dot_general3A_15 = tpu.matmul %convert_element_type3A_14, %convert_element_type3A, %dot_general3A {dimension_numbers = #tpu.dot_dimension_numbers<[1], [0], [0], [1], [0, 0, 1, 1], [], []>, transpose_lhs_hint = false} : vector<1024x32xbf16>, vector<32x8192xbf16>, vector<1024x8192xf32> -> vector<1024x8192xf32>
    %add3A_16 = vector.broadcast %get3A_10 : vector<1024x1xf32> to vector<1024x8192xf32>
    %add3A_17 = vector.broadcast %get3A_13 : vector<1x8192xf32> to vector<1024x8192xf32>
    %add3A_18 = arith.addf %add3A_16, %add3A_17 : vector<1024x8192xf32>
    %sub3A = arith.subf %add3A_18, %dot_general3A_15 : vector<1024x8192xf32>
    %slice3A = vector.extract_strided_slice %sub3A {offsets = [0, 0], sizes = [1024, 4096], strides = [1, 1]} : vector<1024x8192xf32> to vector<1024x4096xf32>
    %slice3A_19 = vector.extract_strided_slice %sub3A {offsets = [0, 4096], sizes = [1024, 4096], strides = [1, 1]} : vector<1024x8192xf32> to vector<1024x4096xf32>
    %reduce_min3A = arith.constant dense<0x7F800000> : vector<1024xf32>
    %reduce_min3A_20 = vector.multi_reduction <minimumf>, %slice3A, %reduce_min3A [1] : vector<1024x4096xf32> to vector<1024xf32>
    %broadcast_in_dim3A = vector.shape_cast %reduce_min3A_20 : vector<1024xf32> to vector<1024x1xf32>
    %reduce_min3A_21 = arith.constant dense<0x7F800000> : vector<1024xf32>
    %reduce_min3A_22 = vector.multi_reduction <minimumf>, %slice3A_19, %reduce_min3A_21 [1] : vector<1024x4096xf32> to vector<1024xf32>
    %broadcast_in_dim3A_23 = vector.shape_cast %reduce_min3A_22 : vector<1024xf32> to vector<1024x1xf32>
    %argmin3A = tpu.reduce_index %slice3A {axis = 1 : i32, kind = #tpu.reduction_kind<arg_min>} : vector<1024x4096xf32> -> vector<1024xi32>
    %broadcast_in_dim3A_24 = vector.shape_cast %argmin3A : vector<1024xi32> to vector<1024x1xi32>
    %argmin3A_25 = tpu.reduce_index %slice3A_19 {axis = 1 : i32, kind = #tpu.reduction_kind<arg_min>} : vector<1024x4096xf32> -> vector<1024xi32>
    %broadcast_in_dim3A_26 = vector.shape_cast %argmin3A_25 : vector<1024xi32> to vector<1024x1xi32>
    %convert_element_type3A_27 = arith.truncf %broadcast_in_dim3A : vector<1024x1xf32> to vector<1024x1xbf16>
    %convert_element_type3A_28 = arith.extf %convert_element_type3A_27 : vector<1024x1xbf16> to vector<1024x1xf32>
    %le3A = arith.cmpf ole, %convert_element_type3A_28, %broadcast_in_dim3A_23 : vector<1024x1xf32>
    %add3A_29 = arith.constant 4096 : i32
    %add3A_30 = vector.broadcast %add3A_29 : i32 to vector<1024x1xi32>
    %add3A_31 = arith.addi %broadcast_in_dim3A_26, %add3A_30 : vector<1024x1xi32>
    %select_n3A = arith.select %le3A, %broadcast_in_dim3A_24, %add3A_31 : vector<1024x1xi1>, vector<1024x1xi32>
    %swap3A = arith.constant 0 : index
    %swap3A_32 = arith.constant 0 : index
    %swap3A_33 = vector.load %arg6[%swap3A, %swap3A_32] : memref<1024x1xi32, #tpu.memory_space<vmem>>, vector<1024x1xi32>
    tpu.vector_store %arg6[%swap3A, %swap3A_32], %select_n3A {strides = array<i32>} : memref<1024x1xi32, #tpu.memory_space<vmem>>, vector<1024x1xi32>,
    %iota3A = tpu.iota {dimensions = array<i32: 1>} : vector<1024x8192xi32>
    %eq3A_34 = vector.broadcast %select_n3A : vector<1024x1xi32> to vector<1024x8192xi32>
    %eq3A_35 = arith.cmpi eq, %iota3A, %eq3A_34 : vector<1024x8192xi32>
    %convert_element_type3A_36 = arith.extui %eq3A_35 : vector<1024x8192xi1> to vector<1024x8192xi32>
    %convert_element_type3A_37 = arith.sitofp %convert_element_type3A_36 : vector<1024x8192xi32> to vector<1024x8192xf32>
    %convert_element_type3A_38 = arith.truncf %convert_element_type3A_37 : vector<1024x8192xf32> to vector<1024x8192xbf16>
    %convert_element_type3A_39 = arith.truncf %get3A_1 : vector<1024x32xf32> to vector<1024x32xbf16>
    %broadcast_in_dim3A_40 = arith.constant 1.000000e+00 : bf16
    %broadcast_in_dim3A_41 = vector.broadcast %broadcast_in_dim3A_40 : bf16 to vector<1024x1xbf16>
    %concatenate3A = tpu.concatenate %convert_element_type3A_39, %broadcast_in_dim3A_41 in 1 : vector<1024x32xbf16>, vector<1024x1xbf16> -> vector<1024x33xbf16>
    %get3A_42 = arith.constant 0 : index
    %get3A_43 = arith.constant 0 : index
    %get3A_44 = vector.load %arg13[%get3A_42, %get3A_43] : memref<33x8192xf32, #tpu.memory_space<vmem>>, vector<33x8192xf32>
    %dot_general3A_45 = arith.constant dense<0.000000e+00> : vector<33x8192xf32>
    %dot_general3A_46 = tpu.matmul %concatenate3A, %convert_element_type3A_38, %dot_general3A_45 {dimension_numbers = #tpu.dot_dimension_numbers<[0], [0], [1], [1], [0, 1, 1, 1], [], []>, transpose_lhs_hint = false} : vector<1024x33xbf16>, vector<1024x8192xbf16>, vector<33x8192xf32> -> vector<33x8192xf32>
    %add3A_47 = arith.addf %get3A_44, %dot_general3A_46 : vector<33x8192xf32>
    %swap3A_48 = arith.constant 0 : index
    %swap3A_49 = arith.constant 0 : index
    %swap3A_50 = vector.load %arg13[%swap3A_48, %swap3A_49] : memref<33x8192xf32, #tpu.memory_space<vmem>>, vector<33x8192xf32>
    tpu.vector_store %arg13[%swap3A_48, %swap3A_49], %add3A_47 {strides = array<i32>} : memref<33x8192xf32, #tpu.memory_space<vmem>>, vector<33x8192xf32>,
    %get3A_51 = arith.constant 0 : index
    %get3A_52 = arith.constant 0 : index
    %get3A_53 = vector.load %arg14[%get3A_51, %get3A_52] : memref<1x1xf32, #tpu.memory_space<vmem>>, vector<1x1xf32>
    %select_n3A_54 = arith.select %le3A, %broadcast_in_dim3A, %broadcast_in_dim3A_23 : vector<1024x1xi1>, vector<1024x1xf32>
    %reduce_sum3A = vector.shape_cast %select_n3A_54 : vector<1024x1xf32> to vector<1x1024x1xf32>
    %reduce_sum3A_55 = arith.constant dense<0.000000e+00> : vector<1xf32>
    %reduce_sum3A_56 = vector.multi_reduction <add>, %reduce_sum3A, %reduce_sum3A_55 [1, 2] : vector<1x1024x1xf32> to vector<1xf32>
    %reduce_sum3A_57 = vector.shape_cast %reduce_sum3A_56 : vector<1xf32> to vector<1x1x1xf32>
    %reduce_sum3A_58 = vector.extract %reduce_sum3A_57[0, 0, 0] : f32 from vector<1x1x1xf32>
    %reshape3A = vector.broadcast %reduce_sum3A_58 : f32 to vector<1x1xf32>
    %add3A_59 = arith.addf %get3A_53, %reshape3A : vector<1x1xf32>
    %swap3A_60 = arith.constant 0 : index
    %swap3A_61 = arith.constant 0 : index
    %swap3A_62 = vector.load %arg14[%swap3A_60, %swap3A_61] : memref<1x1xf32, #tpu.memory_space<vmem>>, vector<1x1xf32>
    tpu.vector_store %arg14[%swap3A_60, %swap3A_61], %add3A_59 {strides = array<i32>} : memref<1x1xf32, #tpu.memory_space<vmem>>, vector<1x1xf32>,
    %eq3A_63 = arith.constant 7 : i32
    %eq3A_64 = arith.cmpi eq, %arg0, %eq3A_63 : i32
    %convert_element_type3A_65 = arith.extui %eq3A_64 : i1 to i32
    %cond3A_66 = arith.constant 0 : i32
    %cond3A_67 = arith.cmpi ne, %convert_element_type3A_65, %cond3A_66 : i32
    scf.if %cond3A_67 {
      %get3A_68 = arith.constant 32 : index
      %get3A_69 = arith.constant 0 : index
      %get3A_70 = vector.load %arg13[%get3A_68, %get3A_69] : memref<33x8192xf32, #tpu.memory_space<vmem>>, vector<1x8192xf32>
      %mul3A = arith.constant 1.000000e-01 : f32
      %mul3A_71 = vector.broadcast %mul3A : f32 to vector<1x8192xf32>
      %mul3A_72 = arith.mulf %mul3A_71, %get3A_70 : vector<1x8192xf32>
      %get3A_73 = arith.constant 0 : index
      %get3A_74 = arith.constant 0 : index
      %get3A_75 = vector.load %arg4[%get3A_73, %get3A_74] : memref<1x8192xf32, #tpu.memory_space<vmem>>, vector<1x8192xf32>
      %mul3A_76 = arith.constant 0.899999976 : f32
      %mul3A_77 = vector.broadcast %mul3A_76 : f32 to vector<1x8192xf32>
      %mul3A_78 = arith.mulf %mul3A_77, %get3A_75 : vector<1x8192xf32>
      %add3A_79 = arith.addf %mul3A_72, %mul3A_78 : vector<1x8192xf32>
      %get3A_80 = arith.constant 0 : index
      %get3A_81 = arith.constant 0 : index
      %get3A_82 = vector.load %arg13[%get3A_80, %get3A_81] : memref<33x8192xf32, #tpu.memory_space<vmem>>, vector<32x8192xf32>
      %mul3A_83 = arith.constant 1.000000e-01 : f32
      %mul3A_84 = vector.broadcast %mul3A_83 : f32 to vector<32x8192xf32>
      %mul3A_85 = arith.mulf %mul3A_84, %get3A_82 : vector<32x8192xf32>
      %get3A_86 = arith.constant 0 : index
      %get3A_87 = arith.constant 0 : index
      %get3A_88 = vector.load %arg5[%get3A_86, %get3A_87] : memref<32x8192xf32, #tpu.memory_space<vmem>>, vector<32x8192xf32>
      %mul3A_89 = arith.constant 0.899999976 : f32
      %mul3A_90 = vector.broadcast %mul3A_89 : f32 to vector<32x8192xf32>
      %mul3A_91 = arith.mulf %mul3A_90, %get3A_88 : vector<32x8192xf32>
      %add3A_92 = arith.addf %mul3A_85, %mul3A_91 : vector<32x8192xf32>
      %reduce_sum3A_93 = vector.shape_cast %add3A_79 : vector<1x8192xf32> to vector<1x1x8192xf32>
      %reduce_sum3A_94 = arith.constant dense<0.000000e+00> : vector<1xf32>
      %reduce_sum3A_95 = vector.multi_reduction <add>, %reduce_sum3A_93, %reduce_sum3A_94 [1, 2] : vector<1x1x8192xf32> to vector<1xf32>
      %reduce_sum3A_96 = vector.shape_cast %reduce_sum3A_95 : vector<1xf32> to vector<1x1x1xf32>
      %reduce_sum3A_97 = vector.extract %reduce_sum3A_96[0, 0, 0] : f32 from vector<1x1x1xf32>
      %add3A_98 = arith.constant 9.99999968E-21 : f32
      %add3A_99 = vector.broadcast %add3A_98 : f32 to vector<1x8192xf32>
      %add3A_100 = arith.addf %add3A_79, %add3A_99 : vector<1x8192xf32>
      %add3A_101 = arith.constant 8.19199974E-17 : f32
      %add3A_102 = arith.addf %reduce_sum3A_97, %add3A_101 : f32
      %div3A = vector.broadcast %add3A_102 : f32 to vector<1x8192xf32>
      %div3A_103 = arith.divf %add3A_100, %div3A : vector<1x8192xf32>
      %mul3A_104 = vector.broadcast %reduce_sum3A_97 : f32 to vector<1x8192xf32>
      %mul3A_105 = arith.mulf %div3A_103, %mul3A_104 : vector<1x8192xf32>
      %swap3A_106 = arith.constant 0 : index
      %swap3A_107 = arith.constant 0 : index
      %swap3A_108 = vector.load %arg11[%swap3A_106, %swap3A_107] : memref<1x8192xf32, #tpu.memory_space<vmem>>, vector<1x8192xf32>
      tpu.vector_store %arg11[%swap3A_106, %swap3A_107], %add3A_79 {strides = array<i32>} : memref<1x8192xf32, #tpu.memory_space<vmem>>, vector<1x8192xf32>,
      %swap3A_109 = arith.constant 0 : index
      %swap3A_110 = arith.constant 0 : index
      %swap3A_111 = vector.load %arg12[%swap3A_109, %swap3A_110] : memref<32x8192xf32, #tpu.memory_space<vmem>>, vector<32x8192xf32>
      tpu.vector_store %arg12[%swap3A_109, %swap3A_110], %add3A_92 {strides = array<i32>} : memref<32x8192xf32, #tpu.memory_space<vmem>>, vector<32x8192xf32>,
      %div3A_112 = vector.broadcast %mul3A_105 : vector<1x8192xf32> to vector<32x8192xf32>
      %div3A_113 = arith.divf %add3A_92, %div3A_112 : vector<32x8192xf32>
      %swap3A_114 = arith.constant 0 : index
      %swap3A_115 = arith.constant 0 : index
      %swap3A_116 = vector.load %arg10[%swap3A_114, %swap3A_115] : memref<32x8192xf32, #tpu.memory_space<vmem>>, vector<32x8192xf32>
      tpu.vector_store %arg10[%swap3A_114, %swap3A_115], %div3A_113 {strides = array<i32>} : memref<32x8192xf32, #tpu.memory_space<vmem>>, vector<32x8192xf32>,
      %get3A_117 = arith.constant 0 : index
      %get3A_118 = arith.constant 0 : index
      %get3A_119 = vector.load %arg14[%get3A_117, %get3A_118] : memref<1x1xf32, #tpu.memory_space<vmem>>, vector<1x1xf32>
      %div3A_120 = arith.constant 2.621440e+05 : f32
      %div3A_121 = vector.broadcast %div3A_120 : f32 to vector<1x1xf32>
      %div3A_122 = arith.divf %get3A_119, %div3A_121 : vector<1x1xf32>
      %mul3A_123 = arith.constant 2.500000e-01 : f32
      %mul3A_124 = vector.broadcast %mul3A_123 : f32 to vector<1x1xf32>
      %mul3A_125 = arith.mulf %mul3A_124, %div3A_122 : vector<1x1xf32>
      %swap3A_126 = arith.constant 0 : index
      %swap3A_127 = arith.constant 0 : index
      %swap3A_128 = vector.load %arg8[%swap3A_126, %swap3A_127] : memref<1x1xf32, #tpu.memory_space<vmem>>, vector<1x1xf32>
      tpu.vector_store %arg8[%swap3A_126, %swap3A_127], %mul3A_125 {strides = array<i32>} : memref<1x1xf32, #tpu.memory_space<vmem>>, vector<1x1xf32>,
      %div3A_129 = arith.constant 8.192000e+03 : f32
      %div3A_130 = vector.broadcast %div3A_129 : f32 to vector<1x8192xf32>
      %div3A_131 = arith.divf %get3A_70, %div3A_130 : vector<1x8192xf32>
      %add3A_132 = arith.constant 9.99999968E-21 : f32
      %add3A_133 = vector.broadcast %add3A_132 : f32 to vector<1x8192xf32>
      %add3A_134 = arith.addf %div3A_131, %add3A_133 : vector<1x8192xf32>
      %log3A = math.log %add3A_134 : vector<1x8192xf32>
      %mul3A_135 = arith.mulf %div3A_131, %log3A : vector<1x8192xf32>
      %reduce_sum3A_136 = vector.shape_cast %mul3A_135 : vector<1x8192xf32> to vector<1x1x8192xf32>
      %reduce_sum3A_137 = arith.constant dense<0.000000e+00> : vector<1xf32>
      %reduce_sum3A_138 = vector.multi_reduction <add>, %reduce_sum3A_136, %reduce_sum3A_137 [1, 2] : vector<1x1x8192xf32> to vector<1xf32>
      %reduce_sum3A_139 = vector.shape_cast %reduce_sum3A_138 : vector<1xf32> to vector<1x1x1xf32>
      %reduce_sum3A_140 = vector.extract %reduce_sum3A_139[0, 0, 0] : f32 from vector<1x1x1xf32>
      %neg3A = arith.constant 0.000000e+00 : f32
      %neg3A_141 = arith.subf %neg3A, %reduce_sum3A_140 : f32
      %exp3A = math.exp %neg3A_141 : f32
      %reshape3A_142 = vector.broadcast %exp3A : f32 to vector<1x1xf32>
      %swap3A_143 = arith.constant 0 : index
      %swap3A_144 = arith.constant 0 : index
      %swap3A_145 = vector.load %arg9[%swap3A_143, %swap3A_144] : memref<1x1xf32, #tpu.memory_space<vmem>>, vector<1x1xf32>
      tpu.vector_store %arg9[%swap3A_143, %swap3A_144], %reshape3A_142 {strides = array<i32>} : memref<1x1xf32, #tpu.memory_space<vmem>>, vector<1x1xf32>,
    } else {
    }
    return
  }
  func.func @transform_0(%arg0: i32) -> (i32, i32) {
    %c0_i32 = arith.constant 0 : i32
    %c0_i32_0 = arith.constant 0 : i32
    return %arg0, %c0_i32 : i32, i32
  }
  func.func @transform_1(%arg0: i32) -> (i32, i32) {
    %c0_i32 = arith.constant 0 : i32
    %c0_i32_0 = arith.constant 0 : i32
    return %arg0, %c0_i32 : i32, i32
  }
  func.func @transform_2(%arg0: i32) -> (i32, i32) {
    %c0_i32 = arith.constant 0 : i32
    %c0_i32_0 = arith.constant 0 : i32
    %c0_i32_1 = arith.constant 0 : i32
    return %c0_i32, %c0_i32_0 : i32, i32
  }
  func.func @transform_3(%arg0: i32) -> (i32, i32) {
    %c0_i32 = arith.constant 0 : i32
    %c0_i32_0 = arith.constant 0 : i32
    %c0_i32_1 = arith.constant 0 : i32
    return %c0_i32, %c0_i32_0 : i32, i32
  }
  func.func @transform_4(%arg0: i32) -> (i32, i32) {
    %c0_i32 = arith.constant 0 : i32
    %c0_i32_0 = arith.constant 0 : i32
    %c0_i32_1 = arith.constant 0 : i32
    return %c0_i32, %c0_i32_0 : i32, i32
  }
  func.func @transform_5(%arg0: i32) -> (i32, i32) {
    %c0_i32 = arith.constant 0 : i32
    %c0_i32_0 = arith.constant 0 : i32
    return %arg0, %c0_i32 : i32, i32
  }
  func.func @transform_6(%arg0: i32) -> (i32, i32) {
    %c0_i32 = arith.constant 0 : i32
    %c0_i32_0 = arith.constant 0 : i32
    %c0_i32_1 = arith.constant 0 : i32
    return %c0_i32, %c0_i32_0 : i32, i32
  }
  func.func @transform_7(%arg0: i32) -> (i32, i32) {
    %c0_i32 = arith.constant 0 : i32
    %c0_i32_0 = arith.constant 0 : i32
    %c0_i32_1 = arith.constant 0 : i32
    return %c0_i32, %c0_i32_0 : i32, i32
  }
  func.func @transform_8(%arg0: i32) -> (i32, i32) {
    %c0_i32 = arith.constant 0 : i32
    %c0_i32_0 = arith.constant 0 : i32
    %c0_i32_1 = arith.constant 0 : i32
    return %c0_i32, %c0_i32_0 : i32, i32
  }
  func.func @transform_9(%arg0: i32) -> (i32, i32) {
    %c0_i32 = arith.constant 0 : i32
    %c0_i32_0 = arith.constant 0 : i32
    %c0_i32_1 = arith.constant 0 : i32
    return %c0_i32, %c0_i32_0 : i32, i32
  }
  func.func @transform_10(%arg0: i32) -> (i32, i32) {
    %c0_i32 = arith.constant 0 : i32
    %c0_i32_0 = arith.constant 0 : i32
    %c0_i32_1 = arith.constant 0 : i32
    return %c0_i32, %c0_i32_0 : i32, i32
  }
  func.func @transform_11(%arg0: i32) -> (i32, i32) {
    %c0_i32 = arith.constant 0 : i32
    %c0_i32_0 = arith.constant 0 : i32
    %c0_i32_1 = arith.constant 0 : i32
    return %c0_i32, %c0_i32_0 : i32, i32
  }
}

module attributes {stable_mosaic.version = 14 : i64} {
  func.func @_qst_kernel(%arg0: memref<8192x128xf32, #tpu.memory_space<vmem>>, %arg1: memref<8192x32xf32, #tpu.memory_space<vmem>>, %arg2: memref<8192x32xf32, #tpu.memory_space<vmem>>) attributes {dimension_semantics = [], scalar_prefetch = 0 : i64, scratch_operands = 0 : i64, tpu.core_type = #tpu.core_type<tc>} {
    %get3A = arith.constant 0 : index
    %get3A_0 = arith.constant 0 : index
    %get3A_1 = vector.load %arg1[%get3A, %get3A_0] : memref<8192x32xf32, #tpu.memory_space<vmem>>, vector<8192x32xf32>
    %get3A_2 = arith.constant 0 : index
    %get3A_3 = arith.constant 0 : index
    %get3A_4 = vector.load %arg0[%get3A_2, %get3A_3] : memref<8192x128xf32, #tpu.memory_space<vmem>>, vector<8192x128xf32>
    %slice3A = vector.extract_strided_slice %get3A_4 {offsets = [0, 0], sizes = [8192, 32], strides = [1, 1]} : vector<8192x128xf32> to vector<8192x32xf32>
    %sub3A = arith.subf %slice3A, %get3A_1 : vector<8192x32xf32>
    %add3A = arith.addf %get3A_1, %sub3A : vector<8192x32xf32>
    %swap3A = arith.constant 0 : index
    %swap3A_5 = arith.constant 0 : index
    %swap3A_6 = vector.load %arg2[%swap3A, %swap3A_5] : memref<8192x32xf32, #tpu.memory_space<vmem>>, vector<8192x32xf32>
    tpu.vector_store %arg2[%swap3A, %swap3A_5], %add3A {strides = array<i32>} : memref<8192x32xf32, #tpu.memory_space<vmem>>, vector<8192x32xf32>,
    return
  }
}

</mosaic_0001>

<sc_bundles>
// kernel: kernel.5.cloned.1.call-start
scs
__scs_entry_jumppad:
0x0: {  	(pc) =	sbr.rel $0x88, $3  }
0x1: {  	(tag) =	ssettag $0x0;
	lr =	simm.s32 $0x1  }
0x2: {  	[smem:$0x3F9D] =	sst lr;
	_ =	strace $0xD0000000  }
0x3: {  	_ = 	snop  }
0x4: {  	_ = 	snop  }
0x5: {  	_ = 	snop  }
0x6: {  	_ = 	snop  }
0x7: {  	_ = 	snop  }
__scs_overlays_trampoline_lowered:
0x8: {  	[smem:$0x3FAC] =	sst s0  }
0x9: {  	[smem:$0x3FAD] =	sst s1  }
0xa: {  	[smem:$0x3FAE] =	sst s2  }
0xb: {  	[smem:$0x3FAF] =	sst s3  }
0xc: {  	[smem:$0x3FB0] =	sst s4  }
0xd: {  	[smem:$0x3FB1] =	sst s5  }
0xe: {  	[smem:$0x3FB2] =	sst s6  }
0xf: {  	[smem:$0x3FB3] =	sst s7  }
0x10: {  	[smem:$0x3FB4] =	sst s8  }
0x11: {  	[smem:$0x3FB5] =	sst s9;
	s0 =	simm.s32 @!p0 $0x0  }
0x12: {  	s1 =	sld [smem:$0x3F9B];
	s0 =	simm.s32 @p0 $0x1  }
0x13: {  	[smem:$0x3FB6] =	sst s0;
	s0 =	simm.s32 @!p1 $0x0  }
0x14: {  	s2 =	sld [smem:$0x3F9A];
	s0 =	simm.s32 @p1 $0x1  }
0x15: {  	[smem:$0x3FB7] =	sst s0;
	s0 =	simm.s32 @!p2 $0x0  }
0x16: {  	s3 =	sld [smem:$0x3FDB];
	s0 =	simm.s32 @p2 $0x1  }
0x17: {  	s4 =	simm.s32 $0x1BF5;
	[smem:$0x3FB9] =	sst s0  }
0x18: {  	s0 =	sld [smem:$0x3F9C];
	_ =	swait.ge [sflag:s4], $0x0  }
0x19: {  	s7 =	sld [smem:$0x3F9D]  }
0x1a: {  	s8 =	sadd.s32 $0xFFFFE003, lr  }
0x1b: {  	s9 =	sadd.s32 $0xFFFFFEF7, lr;
	s5 =	simm.s32 $0xFFFFFFFF;
	p2 =	slt.u32 s8, $0xFFFFF086  }
0x1c: {  	p1 =	slt.u32 s9, $0xF7A;
	s5 =	simm.s32 @!p2 $0x0  }
0x1d: {  	s5 =	simm.s32 @p1 $0x1;
	p0 =	seq.s32 s7, s2  }
0x1e: {  	s7 =	smul.u32 @!p0 $0xF7A, s2;
	p2 =	seq.s32 @!p0 s5, $0x0  }
0x1f: {  	s9 =	smul.u32 $0xF7A, s1;
	s8 =	simm.s32 @!p0 $0x1BF5;
	p2 =	por !p2, p0  }
0x20: {  	[sflag:s8] =	ssyncset.s32 @!p0 $0xFFFFF086;
	s6 =	sadd.s32 @!p0 s3, s7;
	s7 =	simm.s32 @!p0 $0x108  }
0x21: {  	s3 =	sadd.s32 s3, s9;
	s6 =	sadd.s32 @!p0 $0x88, s6;
	s7 =	simm.s32 @p2 $0x1082  }
0x22: {  	[simem:s7], [sflag:s8] =	dma.local @!p0 [hbm:s6], $0xF7A  }
0x23: {  	s9 =	sor.u32 $0xD0000000, s2;
	s6 =	simm.s32 $0x108;
	_ =	swait.ge @!p0 [sflag:s8], $0x0  }
0x24: {  	s3 =	sadd.s32 $0x88, s3;
	s6 =	simm.s32 @!p1 $0x1082;
	[sflag:s4] =	ssyncset.s32 $0xFFFFF086  }
0x25: {  	[simem:s6], [sflag:s4] =	dma.local [hbm:s3], $0xF7A  }
0x26: {  	[smem:$0x3F9D] =	sst s1;
	(tag) =	ssettag s2;
	_ =	strace s9  }
0x27: {  	s1 =	sld [smem:$0x3FAD]  }
0x28: {  	s2 =	sld [smem:$0x3FAE]  }
0x29: {  	s4 =	sld [smem:$0x3FB0]  }
0x2a: {  	p0 =	seq.s32 s5, $0x0;
	s5 =	sld [smem:$0x3FB1]  }
0x2b: {  	s6 =	sld [smem:$0x3FB2]  }
0x2c: {  	s7 =	sld [smem:$0x3FB3]  }
0x2d: {  	s3 =	simm.s32 $0x108;
	s8 =	sld [smem:$0x3FB4]  }
0x2e: {  	s3 =	simm.s32 @!p0 $0x1082;
	s9 =	sld [smem:$0x3FB5]  }
0x2f: {  	lr =	sadd.s32 s0, s3;
	s0 =	sld [smem:$0x3FAC]  }
0x30: {  	s3 =	sld [smem:$0x3FAF]  }
0x31: {  	[smem:$0x3FB8] =	sst s10  }
0x32: {  	s10 =	sld [smem:$0x3FB6];
	_ =	sdelay $0x3  }
0x33: {  	p0 =	seq.s32 s10, $0x1;
	s10 =	sld [smem:$0x3FB8];
	_ =	sdelay $0x3  }
0x34: {  	[smem:$0x3FB8] =	sst s10  }
0x35: {  	s10 =	sld [smem:$0x3FB7];
	_ =	sdelay $0x3  }
0x36: {  	p1 =	seq.s32 s10, $0x1;
	s10 =	sld [smem:$0x3FB8];
	_ =	sdelay $0x3  }
0x37: {  	[smem:$0x3FB8] =	sst s10  }
0x38: {  	s10 =	sld [smem:$0x3FB9]  }
0x39: {  	_ = 	snop;
	(pc) =	sbr.ind lr, $3  }
0x3a: {  	_ = 	snop  }
0x3b: {  	_ = 	snop  }
0x3c: {  	p2 =	seq.s32 s10, $0x1;
	s10 =	sld [smem:$0x3FB8]  }
0x3d: {  	_ =	shalt  }
0x3e: {  	_ =	shalt  }
0x3f: {  	_ =	shalt  }
0x40: {  	_ =	shalt  }
0x41: {  	_ =	shalt  }
0x42: {  	_ =	shalt  }
0x43: {  	_ =	shalt  }
0x44: {  	_ =	shalt  }
0x45: {  	_ =	shalt  }
0x46: {  	_ =	shalt  }
0x47: {  	_ =	shalt  }
0x48: {  	_ =	shalt  }
0x49: {  	_ =	shalt  }
0x4a: {  	_ =	shalt  }
0x4b: {  	_ =	shalt  }
0x4c: {  	_ =	shalt  }
0x4d: {  	_ =	shalt  }
0x4e: {  	_ =	shalt  }
0x4f: {  	_ =	shalt  }
0x50: {  	_ =	shalt  }
0x51: {  	_ =	shalt  }
0x52: {  	_ =	shalt  }
0x53: {  	_ =	shalt  }
0x54: {  	_ =	shalt  }
0x55: {  	_ =	shalt  }
0x56: {  	_ =	shalt  }
0x57: {  	_ =	shalt  }
0x58: {  	_ =	shalt  }
0x59: {  	_ =	shalt  }
0x5a: {  	_ =	shalt  }
0x5b: {  	_ =	shalt  }
0x5c: {  	_ =	shalt  }
0x5d: {  	_ =	shalt  }
0x5e: {  	_ =	shalt  }
0x5f: {  	_ =	shalt  }
0x60: {  	_ =	shalt  }
0x61: {  	_ =	shalt  }
0x62: {  	_ =	shalt  }
0x63: {  	_ =	shalt  }
0x64: {  	_ =	shalt  }
0x65: {  	_ =	shalt  }
0x66: {  	_ =	shalt  }
0x67: {  	_ =	shalt  }
0x68: {  	_ =	shalt  }
0x69: {  	_ =	shalt  }
0x6a: {  	_ =	shalt  }
0x6b: {  	_ =	shalt  }
0x6c: {  	_ =	shalt  }
0x6d: {  	_ =	shalt  }
0x6e: {  	_ =	shalt  }
0x6f: {  	_ =	shalt  }
0x70: {  	_ =	shalt  }
0x71: {  	_ =	shalt  }
0x72: {  	_ =	shalt  }
0x73: {  	_ =	shalt  }
0x74: {  	_ =	shalt  }
0x75: {  	_ =	shalt  }
0x76: {  	_ =	shalt  }
0x77: {  	_ =	shalt  }
0x78: {  	_ =	shalt  }
0x79: {  	_ =	shalt  }
0x7a: {  	_ =	shalt  }
0x7b: {  	_ =	shalt  }
0x7c: {  	_ =	shalt  }
0x7d: {  	_ =	shalt  }
0x7e: {  	_ =	shalt  }
0x7f: {  	_ =	shalt  }
0x80: {  	_ =	shalt  }
0x81: {  	_ =	shalt  }
0x82: {  	_ =	shalt  }
0x83: {  	_ =	shalt  }
0x84: {  	_ =	shalt  }
0x85: {  	_ =	shalt  }
0x86: {  	_ =	shalt  }
0x87: {  	_ =	shalt  }
.Lfunc_end0:
.L_simem_size_0:
called_computation_lowered:
.L_overlay_start_0:
0x88: {  	s2 =	sld [smem:$0x3FD9]  }
0x89: {  	s3 =	sld [smem:$0x3FFE];
	_ =	sdelay $0x1  }
0x8a: {  	s1 =	srdreg.scid  }
0x8b: {  	s0 =	sand.u32 $0x1, s1  }
0x8c: {  	s14 =	sshll.u32 s0, $0xA;
	s2 =	sadd.s32 s3, s2  }
0x8d: {  	s2 =	sadd.s32 s2, s14  }
0x8e: {  	[smem:$0x3FC4] =	sst s2  }
0x8f: {  	_ = 	snop  }
0x90: {  	s2 =	sld [smem:$0x3FD0];
	_ =	sdelay $0x2  }
0x91: {  	s15 =	simm.s32 $0xA;
	s4 =	simm.s32 $0x10  }
0x92: {  	[smem:s4], [sflag:s15] =	dma.local [hbm:s2], $0x1  }
0x93: {  	_ =	swait.eq [sflag:s15], $0x1  }
0x94: {  	[sflag:s15] =	ssyncset.done $0x0  }
0x95: {  	[sflag:s15] =	ssyncadd.s32 $0xFFFFFFFF  }
0x96: {  	s16 =	sld [smem:$0x10];
	(tm) =	ssettm $0x1  }
0x97: {  	s17 =	sld [smem:$0x3FFB];
	_ =	sdelay $0x3  }
0x98: {  	_ =	strace s17  }
0x99: {  	s3 =	sld [smem:$0x3FFC];
	_ =	sdelay $0x3  }
0x9a: {  	_ =	strace s3  }
0x9b: {  	s3 =	sld [smem:$0x3FFD];
	_ =	sdelay $0x3  }
0x9c: {  	_ =	strace s3  }
0x9d: {  	_ =	strace $0x8FFFFFFF  }
0x9e: {  	s18 =	sld [smem:$0x3FDB];
	_ =	sdelay $0x1  }
0x9f: {  	s19 =	simm.s32 $_scs_section_size  }
0xa0: {  	s5 =	simm.s32 $_size__tile_overlayer_lowered;
	s6 =	simm.s32 $_tile_overlayer_lowered  }
0xa1: {  	s22 =	simm.s32 $0x1BFF;
	s21 =	sshll.u32 s6, $0x1;
	s3 =	sadd.s32 s19, s18  }
0xa2: {  	s7 =	simm.s32 $0x0;
	s20 =	sshll.u32 s5, $0x1;
	s5 =	sadd.s32 s21, s3  }
0xa3: {  	[timem:s7], [sflag:s22] =	dma.local [hbm:s5], s20  }
0xa4: {  	_ =	swait.ge [sflag:s22], s20  }
0xa5: {  	s4 =	ssub.s32 $0x0, s20;
	[sflag:s22] =	ssyncset.done $0x0  }
0xa6: {  	[sflag:s22] =	ssyncadd.s32 s4;
	_ =	sdelay $0x1  }
0xa7: {  	s23 =	simm.s32 $0x1B8B  }
0xa8: {  	_ =	swait.ge [sflag:s23], $0x1  }
0xa9: {  	[sflag:s23] =	ssyncset.done $0x0  }
0xaa: {  	s25 =	simm.s32 $0x1B8E;
	s24 =	sld [smem:$0x3FFE];
	[sflag:s23] =	ssyncadd.s32 $0xFFFFFFFF  }
0xab: {  	s26 =	simm.s32 $execute0_lowered;
	[smem:$0x3FD2] =	sst s25  }
0xac: {  	s5 =	sshll.u32 s26, $0x1;
	_ =	strace $0x80000046;
	[dreg:$0x1] =	wrdreg $0xFFFFFFFF  }
0xad: {  	s28 =	simm.s32 $_size_execute0_lowered;
	s3 =	sadd.s32 s3, s5;
	[dreg:$0x0] =	wrdreg $0x0  }
0xae: {  	s5 =	sshll.u32 s28, $0x1;
	[dreg:$0x2] =	wrdreg s3  }
0xaf: {  	[dreg:$0x3] =	wrdreg s5  }
0xb0: {  	[dreg:$0x4] =	wrdreg $0xC0  }
0xb1: {  	_ =	task [dreg:s7], $0x5FFFF  }
0xb2: {  	[dreg:$0x1] =	wrdreg $0xFFFFFFFF  }
0xb3: {  	[dreg:$0x0] =	wrdreg $0x60  }
0xb4: {  	[dreg:$0x2] =	wrdreg s24  }
0xb5: {  	[dreg:$0x3] =	wrdreg s16  }
0xb6: {  	[dreg:$0x4] =	wrdreg $0x9  }
0xb7: {  	_ =	task.clear_ibuf [dreg:s7], $0x5FFFF;
	_ =	strace $0x90000046  }
0xb8: {  	s29 =	simm.s32 $0x9;
	_ =	strace $0x80000048  }
0xb9: {  	_ =	swait.ge [sflag:s29], $0x1  }
0xba: {  	[sflag:s29] =	ssyncadd.s32 $0xFFFFFFFF  }
0xbb: {  	_ =	strace $0x90000048  }
0xbc: {  	_ =	sfence  }
0xbd: {  	s30 =	sld [smem:$0x0];
	_ =	sdelay $0x2  }
0xbe: {  	s31 =	sshll.u32 s1, $0xD;
	s1 =	sshrl.u32 s1, $0x2  }
0xbf: {  	s3 =	sand.u32 $0x4000, s31;
	s1 =	sadd.s32 s1, s30  }
0xc0: {  	s0 =	sor.u32 s3, s0;
	s1 =	sshll.u32 s1, $0x11  }
0xc1: {  	s0 =	sor.u32 s1, s0  }
0xc2: {  	s0 =	sadd.s32 $0x8F2B, s0  }
0xc3: {  	[sflag:s0] =	ssyncadd.remote.s32 $0x1  }
0xc4: {  	_ =	sfence.sel $0xFFFF  }
0xc5: {  	[dreg:$0x0] =	wrdreg $0xFFFFFFFF;
	(pc) =	sbr.abs _section_cstart, $3  }
0xc6: {  	[dreg:$0x1] =	wrdreg $0xFFFFFFFF  }
0xc7: {  	_ =	task.clear_ibuf [dreg:s7], $0x2FFFF;
	_ =	strace $0x9FFFFFFF  }
0xc8: {  	(tm) =	ssettm $0x7FFFFFFF  }
0xc9: {  	_ =	shalt  }
tec
execute0_lowered:
.L_overlay_start_1:
0x0: {  	(tag) =	ssettag $0x1  }
0x1: {  	s1 =	srdreg.scid  }
0x2: {  	s11 =	rddreg [dreg:$0x0];
	s0 =	stileid.u32;
	s12 =	sand.u32 $0x1, s1  }
0x3: {  	s5 =	rddreg [dreg:$0x1];
	s3 =	sshll.u32 s0, $0x9;
	s4 =	sshll.u32 s12, $0x8  }
0x4: {  	s2 =	simm.s32 $0x0;
	s1 =	rddreg [dreg:$0x2];
	s13 =	sor.u32 s4, s3  }
0x5: {  	[smem:$0x7FF] =	sst s2;
	s3 =	sshrl.u32 s13, $0x3  }
0x6: {  	_ =	strace $0x80000047;
	s4 =	sadd.s32 s5, s3;
	s3 =	simm.s32 $0x2  }
0x7: {  	[tilespmem:s2], [sflag:$0x2] =	stream.linear.gather [hbm4b:s4+s2], $0x80, $0x38;
	[tilespmem:$0x8100] =	vst v63  }
0x8: {  	s14 =	sor.u32 $0x80, s13;
	_ =	swait.ge [sflag:s3], $0x80  }
0x9: {  	s6 =	sshrl.u32 s14, $0x3;
	[sflag:s3] =	ssyncset.done $0x0  }
0xa: {  	s5 =	sadd.s32 s5, s6;
	s6 =	simm.s32 $0x80;
	[sflag:s3] =	ssyncadd.s32 $0xFFFFFF80  }
0xb: {  	[tilespmem:s6], [sflag:$0x2] =	stream.linear.gather [hbm4b:s5+s2], $0x80, $0x38;
	[tilespmem:$0x8100] =	vst v63  }
0xc: {  	_ =	swait.ge [sflag:s3], $0x80  }
0xd: {  	s8 =	simm.s32 $0x100;
	[sflag:s3] =	ssyncset.done $0x0  }
0xe: {  	s9 =	simm.s32 $0x1;
	s7 =	sadd.s32 $0x600, s11;
	[sflag:s3] =	ssyncadd.s32 $0xFFFFFF80  }
0xf: {  	[tilespmem:s8], [sflag:$0x1] =	stream.indirect.gather [hbm4b:s7+s6], $0x80, s2, s6, $0xb8;
	[tilespmem:$0x8100] =	vst v63  }
0x10: {  	_ =	swait.ge [sflag:s9], $0x4000  }
0x11: {  	[sflag:s9] =	ssyncset.done $0x0  }
0x12: {  	s10 =	simm.s32 $0x4100;
	s12 =	ssub.s32 $0x2, s12;
	[sflag:s9] =	ssyncadd.s32 $0xFFFFC000  }
0x13: {  	[tilespmem:s10], [sflag:$0x1] =	stream.indirect.gather [hbm4b:s7+s6], $0x80, s6, s6, $0xb8;
	[tilespmem:$0x8100] =	vst v63  }
0x14: {  	s15 =	sadd.s32 $0x20600, s11;
	s30 =	sshrl.u32 s12, $0x1;
	_ =	swait.ge [sflag:s9], $0x4000  }
0x15: {  	s29 =	sshll.u32 s13, $0x4;
	s13 =	ssub.s32 s12, s30;
	[sflag:s9] =	ssyncset.done $0x0  }
0x16: {  	s11 =	sadd.s32 s15, s29;
	s13 =	smax.u32 s13, $0x1;
	[sflag:s9] =	ssyncadd.s32 $0xFFFFC000  }
0x17: {  	[hbm4b:s11+s2] =	stream.linear.scatter [tilespmem:s8], [sflag:$0x2], $0x4000, $0x38;
	[tilespmem:$0x8100] =	vst v63  }
0x18: {  	p0 =	sne.s32 s13, $0x1;
	_ =	swait.ge [sflag:s3], $0x4000  }
.Ltmp0:
0x19: {  	s31 =	sshll.u32 s14, $0x4;
	[sflag:s3] =	ssyncset.done $0x0;
	(pc) =	sbr.rel @!p0 .LBB2_2-.Ltmp0, $4  }
0x1a: {  	s12 =	sadd.s32 s15, s31;
	[sflag:s3] =	ssyncadd.s32 $0xFFFFC000  }
0x1b: {  	[hbm4b:s12+s2] =	stream.linear.scatter [tilespmem:s10], [sflag:$0x2], $0x4000, $0x38;
	[tilespmem:$0x8100] =	vst v63  }
0x1c: {  	_ =	swait.ge [sflag:s3], $0x4000  }
0x1d: {  	s13 =	sadd.s32 $0xFFFFFFFF, s13;
	[sflag:s3] =	ssyncset.done $0x0  }
.LBB2_1:
0x1e: {  	p0 =	sne.s32 s13, $0x1;
	s13 =	sadd.s32 $0xFFFFFFFF, s13;
	[sflag:s3] =	ssyncadd.s32 $0xFFFFC000  }
0x1f: {  	[tilespmem:s2], [sflag:$0x2] =	stream.linear.gather [hbm4b:s4+s2], $0x80, $0x38;
	[tilespmem:$0x8100] =	vst v63  }
0x20: {  	_ =	swait.ge [sflag:s3], $0x80  }
0x21: {  	[sflag:s3] =	ssyncset.done $0x0  }
0x22: {  	[sflag:s3] =	ssyncadd.s32 $0xFFFFFF80  }
0x23: {  	[tilespmem:s6], [sflag:$0x2] =	stream.linear.gather [hbm4b:s5+s2], $0x80, $0x38;
	[tilespmem:$0x8100] =	vst v63  }
0x24: {  	_ =	swait.ge [sflag:s3], $0x80  }
0x25: {  	[sflag:s3] =	ssyncset.done $0x0  }
0x26: {  	[sflag:s3] =	ssyncadd.s32 $0xFFFFFF80  }
0x27: {  	[tilespmem:s8], [sflag:$0x1] =	stream.indirect.gather [hbm4b:s7+s6], $0x80, s2, s6, $0xb8;
	[tilespmem:$0x8100] =	vst v63  }
0x28: {  	_ =	swait.ge [sflag:s9], $0x4000  }
0x29: {  	[sflag:s9] =	ssyncset.done $0x0  }
0x2a: {  	[sflag:s9] =	ssyncadd.s32 $0xFFFFC000  }
0x2b: {  	[tilespmem:s10], [sflag:$0x1] =	stream.indirect.gather [hbm4b:s7+s6], $0x80, s6, s6, $0xb8;
	[tilespmem:$0x8100] =	vst v63  }
0x2c: {  	_ =	swait.ge [sflag:s9], $0x4000  }
0x2d: {  	[sflag:s9] =	ssyncset.done $0x0  }
0x2e: {  	[sflag:s9] =	ssyncadd.s32 $0xFFFFC000  }
0x2f: {  	[hbm4b:s11+s2] =	stream.linear.scatter [tilespmem:s8], [sflag:$0x2], $0x4000, $0x38;
	[tilespmem:$0x8100] =	vst v63  }
0x30: {  	_ =	swait.ge [sflag:s3], $0x4000  }
.Ltmp1:
0x31: {  	[sflag:s3] =	ssyncset.done $0x0;
	(pc) =	sbr.rel @p0 .LBB2_1-.Ltmp1, $4  }
0x32: {  	[sflag:s3] =	ssyncadd.s32 $0xFFFFC000  }
0x33: {  	[hbm4b:s12+s2] =	stream.linear.scatter [tilespmem:s10], [sflag:$0x2], $0x4000, $0x38;
	[tilespmem:$0x8100] =	vst v63  }
0x34: {  	_ =	swait.ge [sflag:s3], $0x4000  }
0x35: {  	[sflag:s3] =	ssyncset.done $0x0  }
.LBB2_2:
0x36: {  	[sflag:s3] =	ssyncadd.s32 $0xFFFFC000  }
0x37: {  	_ =	sfence.sel $0x180000  }
0x38: {  	[bflag:$0x0] =	sbarrier.arrive $0xFFFF  }
0x39: {  	p0 =	sne.s32 s0, $0x0;
	_ =	strace $0x90000047  }
0x3a: {  	s0 =	sadd.s32 @!p0 $0x100000, s1;
	[bflag:$0x2] =	sbarrier.arrive $0xFFFF  }
0x3b: {  	[sflag:s0] =	ssyncadd.tile.s32 @!p0 $0x1;
	_ =	shalt  }
.Lfunc_end2:
_tile_overlayer_lowered:
.L_overlay_start_2:
0x3c: {  	(tag) =	ssettag $0x2  }
0x3d: {  	s0 =	rddreg [dreg:$0x0];
	s2 =	stileid.u32  }
0x3e: {  	s1 =	rddreg [dreg:$0x1];
	p0 =	sne.s32 s2, $0x0  }
0x3f: {  	s3 =	rddreg [dreg:$0x2];
	[bflag:$0x3] =	sbarrier.arrive $0xFFFF;
	s2 =	simm.s32 @!p0 $0x1C02  }
0x40: {  	[timem:s3], [sflag:s2] =	dma.local @!p0 [hbm:s0], s1  }
0x41: {  	s0 =	simm.s32 @!p0 $0x2  }
0x42: {  	_ =	swait.ge @!p0 [sflag:s0], s1  }
0x43: {  	s1 =	ssub.s32 @!p0 $0x0, s1;
	[sflag:s0] =	ssyncset.done @!p0 $0x0  }
0x44: {  	[sflag:s0] =	ssyncadd.s32 @!p0 s1  }
0x45: {  	[bflag:$0x3] =	sbarrier.arrive $0xFFFF  }
0x46: {  	_ =	shalt  }

</sc_bundles>
